<compile_context>
chip_gen: v7x
topology: tpu7x:2x2x1
jax: 0.10.2.dev20260603
libtpu: 0.0.44.dev20260713+nightly
codegen_flags: <defaults>
</compile_context>

<pallas_src>
import functools
import jax
import jax.numpy as jnp
from jax import lax
from jax.experimental import pallas as pl
from jax.experimental.pallas import tpu as pltpu
from jax.experimental.pallas import tpu_sc as plsc

_K = 1024
_D = 64
_N = 32768
_BLK = 1024
_GRID = _N // _BLK
_BETA = 0.25


def _vq_body(x_ref, e_ref, et2_ref, cn_ref, iotac_ref, oh_ref, idx_ref,
             loss_ref, perp_ref, cnt_ref, acc_ref):
    i = pl.program_id(0)
    x = x_ref[...]
    et2 = et2_ref[...]

    @pl.when(i == 0)
    def _():
        cnt_ref[...] = jnp.zeros_like(cnt_ref)
        acc_ref[0] = 0.0

    rn = jnp.sum(x * x, axis=1, keepdims=True)
    mm2 = jnp.dot(x, et2)
    dist = (rn + cn_ref[...]) - mm2

    mn = jnp.min(dist, axis=1, keepdims=True)
    oh = (dist == mn).astype(jnp.float32)
    oh_ref[...] = oh
    acc_ref[0] += jnp.sum(mn)
    idxf = jnp.dot(oh, iotac_ref[...])
    idx_ref[...] = idxf.astype(jnp.int32)
    cnt8 = jnp.dot(jnp.ones((8, _BLK), jnp.float32), oh)
    cnt0 = cnt8[0:1]
    cnt_ref[...] += cnt0
    nsel = jnp.sum(cnt0)

    @pl.when(nsel != jnp.float32(_BLK))
    def _():
        iota = lax.broadcasted_iota(jnp.int32, (_BLK, _K), 1)
        idx2 = jnp.min(jnp.where(dist == mn, iota, _K), axis=1, keepdims=True)
        oh2 = (iota == idx2).astype(jnp.float32)
        oh_ref[...] = oh2
        idx_ref[...] = idx2
        cnt_ref[...] += jnp.sum(oh2, axis=0, keepdims=True) - cnt0

    @pl.when(i == _GRID - 1)
    def _():
        m = acc_ref[0] / jnp.float32(_N * _D)
        loss_ref[...] = jnp.full((1, 1), m * _BETA + m, jnp.float32)
        avg = cnt_ref[...] / jnp.float32(_N)
        ent = jnp.sum(avg * jnp.log(avg + 1e-10))
        perp_ref[...] = jnp.full((1, 1), jnp.exp(-ent), jnp.float32)


def _tc_part(x, embedding, cn, iotac):
    return pl.pallas_call(
        _vq_body,
        grid=(_GRID,),
        in_specs=[
            pl.BlockSpec((_BLK, _D), lambda i: (i, 0)),
            pl.BlockSpec((_K, _D), lambda i: (0, 0)),
            pl.BlockSpec((_D, _K), lambda i: (0, 0)),
            pl.BlockSpec((1, _K), lambda i: (0, 0)),
            pl.BlockSpec((_K, 1), lambda i: (0, 0)),
        ],
        out_specs=[
            pl.BlockSpec((_BLK, _K), lambda i: (i, 0)),
            pl.BlockSpec((_BLK, 1), lambda i: (i, 0)),
            pl.BlockSpec((1, 1), lambda i: (0, 0)),
            pl.BlockSpec((1, 1), lambda i: (0, 0)),
        ],
        out_shape=[
            jax.ShapeDtypeStruct((_N, _K), jnp.float32),
            jax.ShapeDtypeStruct((_N, 1), jnp.int32),
            jax.ShapeDtypeStruct((1, 1), jnp.float32),
            jax.ShapeDtypeStruct((1, 1), jnp.float32),
        ],
        scratch_shapes=[
            pltpu.VMEM((1, _K), jnp.float32),
            pltpu.SMEM((1,), jnp.float32),
        ],
        compiler_params=pltpu.CompilerParams(
            dimension_semantics=("arbitrary",)),
    )(x, embedding, embedding.T * 2.0, cn, iotac)


_DP = 128
_CH = 512


def _make_sc_gather():
    info = plsc.get_sparse_core_info()
    nw = info.num_cores * info.num_subcores
    b_per_w = _N // nw
    mesh = plsc.VectorSubcoreMesh(core_axis_name="c", subcore_axis_name="s")

    @functools.partial(
        pl.kernel, mesh=mesh,
        out_type=jax.ShapeDtypeStruct((_N, _DP), jnp.float32),
        scratch_types=[
            pltpu.VMEM((_CH,), jnp.int32),
            pltpu.VMEM((_CH, _DP), jnp.float32),
            pltpu.SemaphoreType.DMA,
        ],
    )
    def gather(table_hbm, idx_hbm, out_hbm, idx_v, rows_v, sem):
        wid = lax.axis_index("s") * info.num_cores + lax.axis_index("c")
        base = wid * b_per_w
        for j in range(b_per_w // _CH):
            pltpu.sync_copy(idx_hbm.at[pl.ds(base + j * _CH, _CH)], idx_v)
            pltpu.async_copy(table_hbm.at[idx_v], rows_v, sem).wait()
            pltpu.sync_copy(rows_v, out_hbm.at[pl.ds(base + j * _CH, _CH)])

    return gather


def kernel(latents, embedding):
    b, c, h, w = latents.shape
    x = jnp.transpose(latents, (0, 2, 3, 1)).reshape(-1, _D)
    cn = jnp.sum(embedding ** 2, axis=1)[None, :]
    iotac = lax.iota(jnp.float32, _K)[:, None]
    oh, idx, loss, perp = _tc_part(x, embedding, cn, iotac)
    table = jnp.pad(embedding, ((0, 0), (0, _DP - _D)))
    qst_pad = _make_sc_gather()(table, idx.reshape(-1))
    qst4 = jnp.transpose(
        qst_pad.reshape(b, h, w, _DP)[..., :_D], (0, 3, 1, 2))
    return (loss[0, 0], perp[0, 0], qst4, oh)

# --- scband reference (transcript-rebuilt; emitter-appended) ---
"""Pipeline reference for scband-vector-quantizer-46213848105138 (READ-ONLY COPY).

The authoritative reference and input builder live on the scoring server;
editing this copy changes nothing except your own understanding.
"""

import jax, jax.numpy as jnp
import numpy as np

K = 1024
D = 64
BETA = 0.25

def setup_inputs(seed: int = 0) -> dict:
    key = jax.random.key(seed)
    k1, k2 = jax.random.split(key)
    latents = jax.random.normal(k1, (32, 64, 32, 32), dtype=jnp.float32)
    embedding = jax.random.uniform(k2, (K, D), minval=-1.0 / K, maxval=1.0 / K, dtype=jnp.float32)
    return {"latents": latents, "embedding": embedding}

def reference(latents, embedding):
    # [B, C, H, W] -> [B, H, W, C]
    x = jnp.transpose(latents, (0, 2, 3, 1))
    latents_shape = x.shape
    flat = x.reshape(-1, D)
    # squared L2 distances to all codebook entries
    dist = (jnp.sum(flat ** 2, axis=1, keepdims=True)
            + jnp.sum(embedding ** 2, axis=1)
            - 2.0 * jnp.matmul(flat, embedding.T))
    encoding_inds = jnp.argmin(dist, axis=1)
    encoding_one_hot = jax.nn.one_hot(encoding_inds, K, dtype=jnp.float32)
    quantized = jnp.matmul(encoding_one_hot, embedding)
    quantized = quantized.reshape(latents_shape)
    commitment_loss = jnp.mean((jax.lax.stop_gradient(quantized) - x) ** 2)
    embedding_loss = jnp.mean((quantized - jax.lax.stop_gradient(x)) ** 2)
    vq_loss = commitment_loss * BETA + embedding_loss
    # straight-through estimator
    quantized_st = x + jax.lax.stop_gradient(quantized - x)
    avg_probs = jnp.mean(encoding_one_hot, axis=0)
    perplexity = jnp.exp(-jnp.sum(avg_probs * jnp.log(avg_probs + 1e-10)))
    return (vq_loss, perplexity, jnp.transpose(quantized_st, (0, 3, 1, 2)), encoding_one_hot)

if __name__ == "__main__":
    import jax
    _d = setup_inputs()
    print(jax.jit(kernel)(*tuple(_d.values())))

</pallas_src>

<mosaic_0001>
#map = affine_map<(d0, d1) -> (0, 0)>
#map1 = affine_map<(d0, d1) -> (0)>
module attributes {stable_mosaic.version = 14 : i64} {
  func.func @gather(%arg0: i32, %arg1: i32, %arg2: memref<1024x128xf32, #tpu.memory_space<hbm>>, %arg3: memref<32768xi32, #tpu.memory_space<hbm>>, %arg4: memref<32768x128xf32, #tpu.memory_space<hbm>>, %arg5: memref<512xi32, #tpu.memory_space<vmem>>, %arg6: memref<512x128xf32, #tpu.memory_space<vmem>>, %arg7: memref<!tpu.dma_semaphore, #tpu.memory_space<semaphore_mem>>) attributes {dimension_semantics = [#tpu.dimension_semantics<core_parallel>, #tpu.dimension_semantics<subcore_parallel>], iteration_bounds = array<i64: 2, 16>, scalar_prefetch = 0 : i64, scratch_operands = 3 : i64, tpu.core_type = #tpu.core_type<sc_vector_subcore>, window_params = [{transform_indices = #map}, {transform_indices = #map1}, {transform_indices = #map}]} {
    %mul3A = arith.constant 2 : i32
    %mul3A_0 = arith.muli %arg1, %mul3A : i32
    %add3A = arith.addi %mul3A_0, %arg0 : i32
    %mul3A_1 = arith.constant 1024 : i32
    %mul3A_2 = arith.muli %add3A, %mul3A_1 : i32
    %add3A_3 = arith.constant 0 : i32
    %add3A_4 = arith.addi %mul3A_2, %add3A_3 : i32
    "tpu.region"() ({
      %run_scoped3A = tpu.sem_alloc : memref<!tpu.dma_semaphore, #tpu.memory_space<semaphore_mem>>
      %dma_start3A_21 = tpu.memref_slice %arg3[%add3A_4] : memref<32768xi32, #tpu.memory_space<hbm>> -> memref<512xi32, #tpu.memory_space<hbm>>
      %dma_start3A_22 = tpu.memref_slice %arg3[%add3A_4] : memref<32768xi32, #tpu.memory_space<hbm>> -> memref<512xi32, #tpu.memory_space<hbm>>
      tpu.enqueue_dma source(%dma_start3A_22 : memref<512xi32, #tpu.memory_space<hbm>>) target(%arg5 : memref<512xi32, #tpu.memory_space<vmem>>) target_semaphore(%run_scoped3A : memref<!tpu.dma_semaphore, #tpu.memory_space<semaphore_mem>>)
      %dma_wait3A_23 = tpu.memref_slice %arg3[%add3A_4] : memref<32768xi32, #tpu.memory_space<hbm>> -> memref<512xi32, #tpu.memory_space<hbm>>
      %dma_wait3A_24 = tpu.memref_slice %arg3[%add3A_4] : memref<32768xi32, #tpu.memory_space<hbm>> -> memref<512xi32, #tpu.memory_space<hbm>>
      tpu.wait_dma2 semaphore(%run_scoped3A : memref<!tpu.dma_semaphore, #tpu.memory_space<semaphore_mem>>) src(%dma_wait3A_24 : memref<512xi32, #tpu.memory_space<hbm>>) dst(%arg5 : memref<512xi32, #tpu.memory_space<vmem>>)
      tpu.yield
    }) : () -> ()
    %dma_start3A = arith.constant 0 : i32
    %dma_start3A_5 = arith.constant 0 : i32
    %dma_start3A_6 = tpu.memref_slice %arg2[%dma_start3A, %dma_start3A_5] : memref<1024x128xf32, #tpu.memory_space<hbm>> -> memref<1024x128xf32, #tpu.memory_space<hbm>>
    tpu.enqueue_indirect_dma source(%dma_start3A_6 : memref<1024x128xf32, #tpu.memory_space<hbm>>) target(%arg6 : memref<512x128xf32, #tpu.memory_space<vmem>>) offsets(%arg5 : memref<512xi32, #tpu.memory_space<vmem>>) semaphore(%arg7 : memref<!tpu.dma_semaphore, #tpu.memory_space<semaphore_mem>>)
    %dma_wait3A = arith.constant 0 : i32
    %dma_wait3A_7 = arith.constant 0 : i32
    %dma_wait3A_8 = tpu.memref_slice %arg2[%dma_wait3A, %dma_wait3A_7] : memref<1024x128xf32, #tpu.memory_space<hbm>> -> memref<1024x128xf32, #tpu.memory_space<hbm>>
    tpu.wait_indirect_dma semaphore(%arg7 : memref<!tpu.dma_semaphore, #tpu.memory_space<semaphore_mem>>) src(%dma_wait3A_8 : memref<1024x128xf32, #tpu.memory_space<hbm>>) dst(%arg6 : memref<512x128xf32, #tpu.memory_space<vmem>>)
    %add3A_9 = arith.constant 0 : i32
    %add3A_10 = arith.addi %mul3A_2, %add3A_9 : i32
    "tpu.region"() ({
      %run_scoped3A = tpu.sem_alloc : memref<!tpu.dma_semaphore, #tpu.memory_space<semaphore_mem>>
      %dma_start3A_21 = arith.constant 0 : i32
      %dma_start3A_22 = tpu.memref_slice %arg4[%add3A_10, %dma_start3A_21] : memref<32768x128xf32, #tpu.memory_space<hbm>> -> memref<512x128xf32, #tpu.memory_space<hbm>>
      %dma_start3A_23 = arith.constant 0 : i32
      %dma_start3A_24 = tpu.memref_slice %arg4[%add3A_10, %dma_start3A_23] : memref<32768x128xf32, #tpu.memory_space<hbm>> -> memref<512x128xf32, #tpu.memory_space<hbm>>
      tpu.enqueue_dma source(%arg6 : memref<512x128xf32, #tpu.memory_space<vmem>>) target(%dma_start3A_24 : memref<512x128xf32, #tpu.memory_space<hbm>>) target_semaphore(%run_scoped3A : memref<!tpu.dma_semaphore, #tpu.memory_space<semaphore_mem>>)
      %dma_wait3A_25 = arith.constant 0 : i32
      %dma_wait3A_26 = tpu.memref_slice %arg4[%add3A_10, %dma_wait3A_25] : memref<32768x128xf32, #tpu.memory_space<hbm>> -> memref<512x128xf32, #tpu.memory_space<hbm>>
      %dma_wait3A_27 = arith.constant 0 : i32
      %dma_wait3A_28 = tpu.memref_slice %arg4[%add3A_10, %dma_wait3A_27] : memref<32768x128xf32, #tpu.memory_space<hbm>> -> memref<512x128xf32, #tpu.memory_space<hbm>>
      tpu.wait_dma2 semaphore(%run_scoped3A : memref<!tpu.dma_semaphore, #tpu.memory_space<semaphore_mem>>) src(%arg6 : memref<512x128xf32, #tpu.memory_space<vmem>>) dst(%dma_wait3A_28 : memref<512x128xf32, #tpu.memory_space<hbm>>)
      tpu.yield
    }) : () -> ()
    %add3A_11 = arith.constant 512 : i32
    %add3A_12 = arith.addi %mul3A_2, %add3A_11 : i32
    "tpu.region"() ({
      %run_scoped3A = tpu.sem_alloc : memref<!tpu.dma_semaphore, #tpu.memory_space<semaphore_mem>>
      %dma_start3A_21 = tpu.memref_slice %arg3[%add3A_12] : memref<32768xi32, #tpu.memory_space<hbm>> -> memref<512xi32, #tpu.memory_space<hbm>>
      %dma_start3A_22 = tpu.memref_slice %arg3[%add3A_12] : memref<32768xi32, #tpu.memory_space<hbm>> -> memref<512xi32, #tpu.memory_space<hbm>>
      tpu.enqueue_dma source(%dma_start3A_22 : memref<512xi32, #tpu.memory_space<hbm>>) target(%arg5 : memref<512xi32, #tpu.memory_space<vmem>>) target_semaphore(%run_scoped3A : memref<!tpu.dma_semaphore, #tpu.memory_space<semaphore_mem>>)
      %dma_wait3A_23 = tpu.memref_slice %arg3[%add3A_12] : memref<32768xi32, #tpu.memory_space<hbm>> -> memref<512xi32, #tpu.memory_space<hbm>>
      %dma_wait3A_24 = tpu.memref_slice %arg3[%add3A_12] : memref<32768xi32, #tpu.memory_space<hbm>> -> memref<512xi32, #tpu.memory_space<hbm>>
      tpu.wait_dma2 semaphore(%run_scoped3A : memref<!tpu.dma_semaphore, #tpu.memory_space<semaphore_mem>>) src(%dma_wait3A_24 : memref<512xi32, #tpu.memory_space<hbm>>) dst(%arg5 : memref<512xi32, #tpu.memory_space<vmem>>)
      tpu.yield
    }) : () -> ()
    %dma_start3A_13 = arith.constant 0 : i32
    %dma_start3A_14 = arith.constant 0 : i32
    %dma_start3A_15 = tpu.memref_slice %arg2[%dma_start3A_13, %dma_start3A_14] : memref<1024x128xf32, #tpu.memory_space<hbm>> -> memref<1024x128xf32, #tpu.memory_space<hbm>>
    tpu.enqueue_indirect_dma source(%dma_start3A_15 : memref<1024x128xf32, #tpu.memory_space<hbm>>) target(%arg6 : memref<512x128xf32, #tpu.memory_space<vmem>>) offsets(%arg5 : memref<512xi32, #tpu.memory_space<vmem>>) semaphore(%arg7 : memref<!tpu.dma_semaphore, #tpu.memory_space<semaphore_mem>>)
    %dma_wait3A_16 = arith.constant 0 : i32
    %dma_wait3A_17 = arith.constant 0 : i32
    %dma_wait3A_18 = tpu.memref_slice %arg2[%dma_wait3A_16, %dma_wait3A_17] : memref<1024x128xf32, #tpu.memory_space<hbm>> -> memref<1024x128xf32, #tpu.memory_space<hbm>>
    tpu.wait_indirect_dma semaphore(%arg7 : memref<!tpu.dma_semaphore, #tpu.memory_space<semaphore_mem>>) src(%dma_wait3A_18 : memref<1024x128xf32, #tpu.memory_space<hbm>>) dst(%arg6 : memref<512x128xf32, #tpu.memory_space<vmem>>)
    %add3A_19 = arith.constant 512 : i32
    %add3A_20 = arith.addi %mul3A_2, %add3A_19 : i32
    "tpu.region"() ({
      %run_scoped3A = tpu.sem_alloc : memref<!tpu.dma_semaphore, #tpu.memory_space<semaphore_mem>>
      %dma_start3A_21 = arith.constant 0 : i32
      %dma_start3A_22 = tpu.memref_slice %arg4[%add3A_20, %dma_start3A_21] : memref<32768x128xf32, #tpu.memory_space<hbm>> -> memref<512x128xf32, #tpu.memory_space<hbm>>
      %dma_start3A_23 = arith.constant 0 : i32
      %dma_start3A_24 = tpu.memref_slice %arg4[%add3A_20, %dma_start3A_23] : memref<32768x128xf32, #tpu.memory_space<hbm>> -> memref<512x128xf32, #tpu.memory_space<hbm>>
      tpu.enqueue_dma source(%arg6 : memref<512x128xf32, #tpu.memory_space<vmem>>) target(%dma_start3A_24 : memref<512x128xf32, #tpu.memory_space<hbm>>) target_semaphore(%run_scoped3A : memref<!tpu.dma_semaphore, #tpu.memory_space<semaphore_mem>>)
      %dma_wait3A_25 = arith.constant 0 : i32
      %dma_wait3A_26 = tpu.memref_slice %arg4[%add3A_20, %dma_wait3A_25] : memref<32768x128xf32, #tpu.memory_space<hbm>> -> memref<512x128xf32, #tpu.memory_space<hbm>>
      %dma_wait3A_27 = arith.constant 0 : i32
      %dma_wait3A_28 = tpu.memref_slice %arg4[%add3A_20, %dma_wait3A_27] : memref<32768x128xf32, #tpu.memory_space<hbm>> -> memref<512x128xf32, #tpu.memory_space<hbm>>
      tpu.wait_dma2 semaphore(%run_scoped3A : memref<!tpu.dma_semaphore, #tpu.memory_space<semaphore_mem>>) src(%arg6 : memref<512x128xf32, #tpu.memory_space<vmem>>) dst(%dma_wait3A_28 : memref<512x128xf32, #tpu.memory_space<hbm>>)
      tpu.yield
    }) : () -> ()
    return
  }
}

module attributes {stable_mosaic.version = 14 : i64} {
  func.func @_vq_body(%arg0: i32, %arg1: memref<1024x64xf32, #tpu.memory_space<vmem>>, %arg2: memref<1024x64xf32, #tpu.memory_space<vmem>>, %arg3: memref<64x1024xf32, #tpu.memory_space<vmem>>, %arg4: memref<1x1024xf32, #tpu.memory_space<vmem>>, %arg5: memref<1024x1xf32, #tpu.memory_space<vmem>>, %arg6: memref<1024x1024xf32, #tpu.memory_space<vmem>>, %arg7: memref<1024x1xi32, #tpu.memory_space<vmem>>, %arg8: memref<1x1xf32, #tpu.memory_space<vmem>>, %arg9: memref<1x1xf32, #tpu.memory_space<vmem>>, %arg10: memref<1x1024xf32, #tpu.memory_space<vmem>>, %arg11: memref<1xf32, #tpu.memory_space<smem>>) attributes {dimension_semantics = [#tpu.dimension_semantics<arbitrary>], iteration_bounds = array<i64: 32>, scalar_prefetch = 0 : i64, scratch_operands = 2 : i64, tpu.core_type = #tpu.core_type<tc>, window_params = [{transform_indices = @transform_0, window_bounds = array<i64: 1024, 64>}, {pipeline_mode = #tpu.pipeline_mode<synchronous>, transform_indices = @transform_1, window_bounds = array<i64: 1024, 64>}, {pipeline_mode = #tpu.pipeline_mode<synchronous>, transform_indices = @transform_2, window_bounds = array<i64: 64, 1024>}, {pipeline_mode = #tpu.pipeline_mode<synchronous>, transform_indices = @transform_3, window_bounds = array<i64: 1, 1024>}, {pipeline_mode = #tpu.pipeline_mode<synchronous>, transform_indices = @transform_4, window_bounds = array<i64: 1024, 1>}, {transform_indices = @transform_5, window_bounds = array<i64: 1024, 1024>}, {transform_indices = @transform_6, window_bounds = array<i64: 1024, 1>}, {pipeline_mode = #tpu.pipeline_mode<synchronous>, transform_indices = @transform_7, window_bounds = array<i64: 1, 1>}, {pipeline_mode = #tpu.pipeline_mode<synchronous>, transform_indices = @transform_8, window_bounds = array<i64: 1, 1>}]} {
    %get3A = arith.constant 0 : index
    %get3A_0 = arith.constant 0 : index
    %get3A_1 = vector.load %arg1[%get3A, %get3A_0] : memref<1024x64xf32, #tpu.memory_space<vmem>>, vector<1024x64xf32>
    %get3A_2 = arith.constant 0 : index
    %get3A_3 = arith.constant 0 : index
    %get3A_4 = vector.load %arg3[%get3A_2, %get3A_3] : memref<64x1024xf32, #tpu.memory_space<vmem>>, vector<64x1024xf32>
    %eq3A = arith.constant 0 : i32
    %eq3A_5 = arith.cmpi eq, %arg0, %eq3A : i32
    %convert_element_type3A = arith.extui %eq3A_5 : i1 to i32
    %cond3A = arith.constant 0 : i32
    %cond3A_6 = arith.cmpi ne, %convert_element_type3A, %cond3A : i32
    scf.if %cond3A_6 {
      %broadcast_in_dim3A_66 = arith.constant 0.000000e+00 : f32
      %broadcast_in_dim3A_67 = vector.broadcast %broadcast_in_dim3A_66 : f32 to vector<1x1024xf32>
      %swap3A_68 = arith.constant 0 : index
      %swap3A_69 = arith.constant 0 : index
      %swap3A_70 = vector.load %arg10[%swap3A_68, %swap3A_69] : memref<1x1024xf32, #tpu.memory_space<vmem>>, vector<1x1024xf32>
      tpu.vector_store %arg10[%swap3A_68, %swap3A_69], %broadcast_in_dim3A_67 {strides = array<i32>} : memref<1x1024xf32, #tpu.memory_space<vmem>>, vector<1x1024xf32>,
      %swap3A_71 = arith.constant 0.000000e+00 : f32
      %swap3A_72 = arith.constant 0 : index
      %swap3A_73 = memref.load %arg11[%swap3A_72] : memref<1xf32, #tpu.memory_space<smem>>
      memref.store %swap3A_71, %arg11[%swap3A_72] : memref<1xf32, #tpu.memory_space<smem>>
    } else {
    }
    %mul3A = arith.mulf %get3A_1, %get3A_1 : vector<1024x64xf32>
    %reduce_sum3A = arith.constant dense<0.000000e+00> : vector<1024xf32>
    %reduce_sum3A_7 = vector.multi_reduction <add>, %mul3A, %reduce_sum3A [1] : vector<1024x64xf32> to vector<1024xf32>
    %broadcast_in_dim3A = vector.shape_cast %reduce_sum3A_7 : vector<1024xf32> to vector<1024x1xf32>
    %dot_general3A = arith.constant dense<0.000000e+00> : vector<1024x1024xf32>
    %dot_general3A_8 = tpu.matmul %get3A_1, %get3A_4, %dot_general3A {dimension_numbers = #tpu.dot_dimension_numbers<[1], [0], [0], [1], [0, 0, 1, 1], [], []>, transpose_lhs_hint = false} : vector<1024x64xf32>, vector<64x1024xf32>, vector<1024x1024xf32> -> vector<1024x1024xf32>
    %get3A_9 = arith.constant 0 : index
    %get3A_10 = arith.constant 0 : index
    %get3A_11 = vector.load %arg4[%get3A_9, %get3A_10] : memref<1x1024xf32, #tpu.memory_space<vmem>>, vector<1x1024xf32>
    %add3A = vector.broadcast %broadcast_in_dim3A : vector<1024x1xf32> to vector<1024x1024xf32>
    %add3A_12 = vector.broadcast %get3A_11 : vector<1x1024xf32> to vector<1024x1024xf32>
    %add3A_13 = arith.addf %add3A, %add3A_12 : vector<1024x1024xf32>
    %sub3A = arith.subf %add3A_13, %dot_general3A_8 : vector<1024x1024xf32>
    %reduce_min3A = arith.constant dense<0x7F800000> : vector<1024xf32>
    %reduce_min3A_14 = vector.multi_reduction <minimumf>, %sub3A, %reduce_min3A [1] : vector<1024x1024xf32> to vector<1024xf32>
    %broadcast_in_dim3A_15 = vector.shape_cast %reduce_min3A_14 : vector<1024xf32> to vector<1024x1xf32>
    %eq3A_16 = vector.broadcast %broadcast_in_dim3A_15 : vector<1024x1xf32> to vector<1024x1024xf32>
    %eq3A_17 = arith.cmpf oeq, %sub3A, %eq3A_16 : vector<1024x1024xf32>
    %convert_element_type3A_18 = arith.extui %eq3A_17 : vector<1024x1024xi1> to vector<1024x1024xi32>
    %convert_element_type3A_19 = arith.sitofp %convert_element_type3A_18 : vector<1024x1024xi32> to vector<1024x1024xf32>
    %swap3A = arith.constant 0 : index
    %swap3A_20 = arith.constant 0 : index
    %swap3A_21 = vector.load %arg6[%swap3A, %swap3A_20] : memref<1024x1024xf32, #tpu.memory_space<vmem>>, vector<1024x1024xf32>
    tpu.vector_store %arg6[%swap3A, %swap3A_20], %convert_element_type3A_19 {strides = array<i32>} : memref<1024x1024xf32, #tpu.memory_space<vmem>>, vector<1024x1024xf32>,
    %get3A_22 = arith.constant 0 : index
    %get3A_23 = memref.load %arg11[%get3A_22] : memref<1xf32, #tpu.memory_space<smem>>
    %reduce_sum3A_24 = vector.shape_cast %broadcast_in_dim3A_15 : vector<1024x1xf32> to vector<1x1024x1xf32>
    %reduce_sum3A_25 = arith.constant dense<0.000000e+00> : vector<1xf32>
    %reduce_sum3A_26 = vector.multi_reduction <add>, %reduce_sum3A_24, %reduce_sum3A_25 [1, 2] : vector<1x1024x1xf32> to vector<1xf32>
    %reduce_sum3A_27 = vector.shape_cast %reduce_sum3A_26 : vector<1xf32> to vector<1x1x1xf32>
    %reduce_sum3A_28 = vector.extract %reduce_sum3A_27[0, 0, 0] : f32 from vector<1x1x1xf32>
    %add3A_29 = arith.addf %get3A_23, %reduce_sum3A_28 : f32
    %swap3A_30 = arith.constant 0 : index
    %swap3A_31 = memref.load %arg11[%swap3A_30] : memref<1xf32, #tpu.memory_space<smem>>
    memref.store %add3A_29, %arg11[%swap3A_30] : memref<1xf32, #tpu.memory_space<smem>>
    %get3A_32 = arith.constant 0 : index
    %get3A_33 = arith.constant 0 : index
    %get3A_34 = vector.load %arg5[%get3A_32, %get3A_33] : memref<1024x1xf32, #tpu.memory_space<vmem>>, vector<1024x1xf32>
    %dot_general3A_35 = arith.constant dense<0.000000e+00> : vector<1024x1xf32>
    %dot_general3A_36 = tpu.matmul %convert_element_type3A_19, %get3A_34, %dot_general3A_35 {dimension_numbers = #tpu.dot_dimension_numbers<[1], [0], [0], [1], [0, 0, 1, 1], [], []>, transpose_lhs_hint = false} : vector<1024x1024xf32>, vector<1024x1xf32>, vector<1024x1xf32> -> vector<1024x1xf32>
    %convert_element_type3A_37 = arith.fptosi %dot_general3A_36 : vector<1024x1xf32> to vector<1024x1xi32>
    %swap3A_38 = arith.constant 0 : index
    %swap3A_39 = arith.constant 0 : index
    %swap3A_40 = vector.load %arg7[%swap3A_38, %swap3A_39] : memref<1024x1xi32, #tpu.memory_space<vmem>>, vector<1024x1xi32>
    tpu.vector_store %arg7[%swap3A_38, %swap3A_39], %convert_element_type3A_37 {strides = array<i32>} : memref<1024x1xi32, #tpu.memory_space<vmem>>, vector<1024x1xi32>,
    %broadcast_in_dim3A_41 = arith.constant 1.000000e+00 : f32
    %broadcast_in_dim3A_42 = vector.broadcast %broadcast_in_dim3A_41 : f32 to vector<8x1024xf32>
    %dot_general3A_43 = arith.constant dense<0.000000e+00> : vector<8x1024xf32>
    %dot_general3A_44 = tpu.matmul %broadcast_in_dim3A_42, %convert_element_type3A_19, %dot_general3A_43 {dimension_numbers = #tpu.dot_dimension_numbers<[1], [0], [0], [1], [0, 0, 1, 1], [], []>, transpose_lhs_hint = false} : vector<8x1024xf32>, vector<1024x1024xf32>, vector<8x1024xf32> -> vector<8x1024xf32>
    %slice3A = vector.extract_strided_slice %dot_general3A_44 {offsets = [0, 0], sizes = [1, 1024], strides = [1, 1]} : vector<8x1024xf32> to vector<1x1024xf32>
    %get3A_45 = arith.constant 0 : index
    %get3A_46 = arith.constant 0 : index
    %get3A_47 = vector.load %arg10[%get3A_45, %get3A_46] : memref<1x1024xf32, #tpu.memory_space<vmem>>, vector<1x1024xf32>
    %add3A_48 = arith.addf %get3A_47, %slice3A : vector<1x1024xf32>
    %swap3A_49 = arith.constant 0 : index
    %swap3A_50 = arith.constant 0 : index
    %swap3A_51 = vector.load %arg10[%swap3A_49, %swap3A_50] : memref<1x1024xf32, #tpu.memory_space<vmem>>, vector<1x1024xf32>
    tpu.vector_store %arg10[%swap3A_49, %swap3A_50], %add3A_48 {strides = array<i32>} : memref<1x1024xf32, #tpu.memory_space<vmem>>, vector<1x1024xf32>,
    %reduce_sum3A_52 = vector.shape_cast %slice3A : vector<1x1024xf32> to vector<1x1x1024xf32>
    %reduce_sum3A_53 = arith.constant dense<0.000000e+00> : vector<1xf32>
    %reduce_sum3A_54 = vector.multi_reduction <add>, %reduce_sum3A_52, %reduce_sum3A_53 [1, 2] : vector<1x1x1024xf32> to vector<1xf32>
    %reduce_sum3A_55 = vector.shape_cast %reduce_sum3A_54 : vector<1xf32> to vector<1x1x1xf32>
    %reduce_sum3A_56 = vector.extract %reduce_sum3A_55[0, 0, 0] : f32 from vector<1x1x1xf32>
    %ne3A = arith.constant 1.024000e+03 : f32
    %ne3A_57 = arith.cmpf one, %reduce_sum3A_56, %ne3A : f32
    %convert_element_type3A_58 = arith.extui %ne3A_57 : i1 to i32
    %cond3A_59 = arith.constant 0 : i32
    %cond3A_60 = arith.cmpi ne, %convert_element_type3A_58, %cond3A_59 : i32
    scf.if %cond3A_60 {
      %iota3A = tpu.iota {dimensions = array<i32: 1>} : vector<1024x1024xi32>
      %eq3A_66 = vector.broadcast %broadcast_in_dim3A_15 : vector<1024x1xf32> to vector<1024x1024xf32>
      %eq3A_67 = arith.cmpf oeq, %sub3A, %eq3A_66 : vector<1024x1024xf32>
      %jit3A = arith.constant 1024 : i32
      %broadcast_in_dim3A_68 = vector.broadcast %jit3A : i32 to vector<1024x1024xi32>
      %select_n3A = arith.select %eq3A_67, %iota3A, %broadcast_in_dim3A_68 : vector<1024x1024xi1>, vector<1024x1024xi32>
      %reduce_min3A_69 = arith.constant dense<2147483647> : vector<1024xi32>
      %reduce_min3A_70 = vector.multi_reduction <minsi>, %select_n3A, %reduce_min3A_69 [1] : vector<1024x1024xi32> to vector<1024xi32>
      %broadcast_in_dim3A_71 = vector.shape_cast %reduce_min3A_70 : vector<1024xi32> to vector<1024x1xi32>
      %eq3A_72 = vector.broadcast %broadcast_in_dim3A_71 : vector<1024x1xi32> to vector<1024x1024xi32>
      %eq3A_73 = arith.cmpi eq, %iota3A, %eq3A_72 : vector<1024x1024xi32>
      %convert_element_type3A_74 = arith.extui %eq3A_73 : vector<1024x1024xi1> to vector<1024x1024xi32>
      %convert_element_type3A_75 = arith.sitofp %convert_element_type3A_74 : vector<1024x1024xi32> to vector<1024x1024xf32>
      %swap3A_76 = arith.constant 0 : index
      %swap3A_77 = arith.constant 0 : index
      %swap3A_78 = vector.load %arg6[%swap3A_76, %swap3A_77] : memref<1024x1024xf32, #tpu.memory_space<vmem>>, vector<1024x1024xf32>
      tpu.vector_store %arg6[%swap3A_76, %swap3A_77], %convert_element_type3A_75 {strides = array<i32>} : memref<1024x1024xf32, #tpu.memory_space<vmem>>, vector<1024x1024xf32>,
      %swap3A_79 = arith.constant 0 : index
      %swap3A_80 = arith.constant 0 : index
      %swap3A_81 = vector.load %arg7[%swap3A_79, %swap3A_80] : memref<1024x1xi32, #tpu.memory_space<vmem>>, vector<1024x1xi32>
      tpu.vector_store %arg7[%swap3A_79, %swap3A_80], %broadcast_in_dim3A_71 {strides = array<i32>} : memref<1024x1xi32, #tpu.memory_space<vmem>>, vector<1024x1xi32>,
      %get3A_82 = arith.constant 0 : index
      %get3A_83 = arith.constant 0 : index
      %get3A_84 = vector.load %arg10[%get3A_82, %get3A_83] : memref<1x1024xf32, #tpu.memory_space<vmem>>, vector<1x1024xf32>
      %reduce_sum3A_85 = arith.constant dense<0.000000e+00> : vector<1024xf32>
      %reduce_sum3A_86 = vector.multi_reduction <add>, %convert_element_type3A_75, %reduce_sum3A_85 [0] : vector<1024x1024xf32> to vector<1024xf32>
      %broadcast_in_dim3A_87 = vector.shape_cast %reduce_sum3A_86 : vector<1024xf32> to vector<1x1024xf32>
      %sub3A_88 = arith.subf %broadcast_in_dim3A_87, %slice3A : vector<1x1024xf32>
      %add3A_89 = arith.addf %get3A_84, %sub3A_88 : vector<1x1024xf32>
      %swap3A_90 = arith.constant 0 : index
      %swap3A_91 = arith.constant 0 : index
      %swap3A_92 = vector.load %arg10[%swap3A_90, %swap3A_91] : memref<1x1024xf32, #tpu.memory_space<vmem>>, vector<1x1024xf32>
      tpu.vector_store %arg10[%swap3A_90, %swap3A_91], %add3A_89 {strides = array<i32>} : memref<1x1024xf32, #tpu.memory_space<vmem>>, vector<1x1024xf32>,
    } else {
    }
    %eq3A_61 = arith.constant 31 : i32
    %eq3A_62 = arith.cmpi eq, %arg0, %eq3A_61 : i32
    %convert_element_type3A_63 = arith.extui %eq3A_62 : i1 to i32
    %cond3A_64 = arith.constant 0 : i32
    %cond3A_65 = arith.cmpi ne, %convert_element_type3A_63, %cond3A_64 : i32
    scf.if %cond3A_65 {
      %get3A_66 = arith.constant 0 : index
      %get3A_67 = memref.load %arg11[%get3A_66] : memref<1xf32, #tpu.memory_space<smem>>
      %div3A = arith.constant 0x4A000000 : f32
      %div3A_68 = arith.divf %get3A_67, %div3A : f32
      %mul3A_69 = arith.constant 2.500000e-01 : f32
      %mul3A_70 = arith.mulf %div3A_68, %mul3A_69 : f32
      %add3A_71 = arith.addf %mul3A_70, %div3A_68 : f32
      %broadcast_in_dim3A_72 = vector.broadcast %add3A_71 : f32 to vector<1x1xf32>
      %swap3A_73 = arith.constant 0 : index
      %swap3A_74 = arith.constant 0 : index
      %swap3A_75 = vector.load %arg8[%swap3A_73, %swap3A_74] : memref<1x1xf32, #tpu.memory_space<vmem>>, vector<1x1xf32>
      tpu.vector_store %arg8[%swap3A_73, %swap3A_74], %broadcast_in_dim3A_72 {strides = array<i32>} : memref<1x1xf32, #tpu.memory_space<vmem>>, vector<1x1xf32>,
      %get3A_76 = arith.constant 0 : index
      %get3A_77 = arith.constant 0 : index
      %get3A_78 = vector.load %arg10[%get3A_76, %get3A_77] : memref<1x1024xf32, #tpu.memory_space<vmem>>, vector<1x1024xf32>
      %div3A_79 = arith.constant 3.276800e+04 : f32
      %div3A_80 = vector.broadcast %div3A_79 : f32 to vector<1x1024xf32>
      %div3A_81 = arith.divf %get3A_78, %div3A_80 : vector<1x1024xf32>
      %add3A_82 = arith.constant 1.000000e-10 : f32
      %add3A_83 = vector.broadcast %add3A_82 : f32 to vector<1x1024xf32>
      %add3A_84 = arith.addf %div3A_81, %add3A_83 : vector<1x1024xf32>
      %log3A = math.log %add3A_84 : vector<1x1024xf32>
      %mul3A_85 = arith.mulf %div3A_81, %log3A : vector<1x1024xf32>
      %reduce_sum3A_86 = vector.shape_cast %mul3A_85 : vector<1x1024xf32> to vector<1x1x1024xf32>
      %reduce_sum3A_87 = arith.constant dense<0.000000e+00> : vector<1xf32>
      %reduce_sum3A_88 = vector.multi_reduction <add>, %reduce_sum3A_86, %reduce_sum3A_87 [1, 2] : vector<1x1x1024xf32> to vector<1xf32>
      %reduce_sum3A_89 = vector.shape_cast %reduce_sum3A_88 : vector<1xf32> to vector<1x1x1xf32>
      %reduce_sum3A_90 = vector.extract %reduce_sum3A_89[0, 0, 0] : f32 from vector<1x1x1xf32>
      %neg3A = arith.constant 0.000000e+00 : f32
      %neg3A_91 = arith.subf %neg3A, %reduce_sum3A_90 : f32
      %exp3A = math.exp %neg3A_91 : f32
      %broadcast_in_dim3A_92 = vector.broadcast %exp3A : f32 to vector<1x1xf32>
      %swap3A_93 = arith.constant 0 : index
      %swap3A_94 = arith.constant 0 : index
      %swap3A_95 = vector.load %arg9[%swap3A_93, %swap3A_94] : memref<1x1xf32, #tpu.memory_space<vmem>>, vector<1x1xf32>
      tpu.vector_store %arg9[%swap3A_93, %swap3A_94], %broadcast_in_dim3A_92 {strides = array<i32>} : memref<1x1xf32, #tpu.memory_space<vmem>>, vector<1x1xf32>,
    } else {
    }
    return
  }
  func.func @transform_0(%arg0: i32) -> (i32, i32) {
    %c0_i32 = arith.constant 0 : i32
    %c0_i32_0 = arith.constant 0 : i32
    return %arg0, %c0_i32 : i32, i32
  }
  func.func @transform_1(%arg0: i32) -> (i32, i32) {
    %c0_i32 = arith.constant 0 : i32
    %c0_i32_0 = arith.constant 0 : i32
    %c0_i32_1 = arith.constant 0 : i32
    return %c0_i32, %c0_i32_0 : i32, i32
  }
  func.func @transform_2(%arg0: i32) -> (i32, i32) {
    %c0_i32 = arith.constant 0 : i32
    %c0_i32_0 = arith.constant 0 : i32
    %c0_i32_1 = arith.constant 0 : i32
    return %c0_i32, %c0_i32_0 : i32, i32
  }
  func.func @transform_3(%arg0: i32) -> (i32, i32) {
    %c0_i32 = arith.constant 0 : i32
    %c0_i32_0 = arith.constant 0 : i32
    %c0_i32_1 = arith.constant 0 : i32
    return %c0_i32, %c0_i32_0 : i32, i32
  }
  func.func @transform_4(%arg0: i32) -> (i32, i32) {
    %c0_i32 = arith.constant 0 : i32
    %c0_i32_0 = arith.constant 0 : i32
    %c0_i32_1 = arith.constant 0 : i32
    return %c0_i32, %c0_i32_0 : i32, i32
  }
  func.func @transform_5(%arg0: i32) -> (i32, i32) {
    %c0_i32 = arith.constant 0 : i32
    %c0_i32_0 = arith.constant 0 : i32
    return %arg0, %c0_i32 : i32, i32
  }
  func.func @transform_6(%arg0: i32) -> (i32, i32) {
    %c0_i32 = arith.constant 0 : i32
    %c0_i32_0 = arith.constant 0 : i32
    return %arg0, %c0_i32 : i32, i32
  }
  func.func @transform_7(%arg0: i32) -> (i32, i32) {
    %c0_i32 = arith.constant 0 : i32
    %c0_i32_0 = arith.constant 0 : i32
    %c0_i32_1 = arith.constant 0 : i32
    return %c0_i32, %c0_i32_0 : i32, i32
  }
  func.func @transform_8(%arg0: i32) -> (i32, i32) {
    %c0_i32 = arith.constant 0 : i32
    %c0_i32_0 = arith.constant 0 : i32
    %c0_i32_1 = arith.constant 0 : i32
    return %c0_i32, %c0_i32_0 : i32, i32
  }
}

</mosaic_0001>

<sc_bundles>
// kernel: kernel.4.cloned.1.call-start
scs
__scs_entry_jumppad:
0x0: {  	(pc) =	sbr.rel $0x88, $3  }
0x1: {  	(tag) =	ssettag $0x0;
	lr =	simm.s32 $0x1  }
0x2: {  	[smem:$0x3F9F] =	sst lr;
	_ =	strace $0xD0000000  }
0x3: {  	_ = 	snop  }
0x4: {  	_ = 	snop  }
0x5: {  	_ = 	snop  }
0x6: {  	_ = 	snop  }
0x7: {  	_ = 	snop  }
__scs_overlays_trampoline_lowered:
0x8: {  	[smem:$0x3FAE] =	sst s0  }
0x9: {  	[smem:$0x3FAF] =	sst s1  }
0xa: {  	[smem:$0x3FB0] =	sst s2  }
0xb: {  	[smem:$0x3FB1] =	sst s3  }
0xc: {  	[smem:$0x3FB2] =	sst s4  }
0xd: {  	[smem:$0x3FB3] =	sst s5  }
0xe: {  	[smem:$0x3FB4] =	sst s6  }
0xf: {  	[smem:$0x3FB5] =	sst s7  }
0x10: {  	[smem:$0x3FB6] =	sst s8  }
0x11: {  	[smem:$0x3FB7] =	sst s9;
	s0 =	simm.s32 @!p0 $0x0  }
0x12: {  	s1 =	sld [smem:$0x3F9D];
	s0 =	simm.s32 @p0 $0x1  }
0x13: {  	[smem:$0x3FB8] =	sst s0;
	s0 =	simm.s32 @!p1 $0x0  }
0x14: {  	s2 =	sld [smem:$0x3F9C];
	s0 =	simm.s32 @p1 $0x1  }
0x15: {  	[smem:$0x3FB9] =	sst s0;
	s0 =	simm.s32 @!p2 $0x0  }
0x16: {  	s3 =	sld [smem:$0x3FDB];
	s0 =	simm.s32 @p2 $0x1  }
0x17: {  	s4 =	simm.s32 $0x1BF5;
	[smem:$0x3FBB] =	sst s0  }
0x18: {  	s0 =	sld [smem:$0x3F9E];
	_ =	swait.ge [sflag:s4], $0x0  }
0x19: {  	s7 =	sld [smem:$0x3F9F]  }
0x1a: {  	s8 =	sadd.s32 $0xFFFFE003, lr  }
0x1b: {  	s9 =	sadd.s32 $0xFFFFFEF7, lr;
	s5 =	simm.s32 $0xFFFFFFFF;
	p2 =	slt.u32 s8, $0xFFFFF086  }
0x1c: {  	p1 =	slt.u32 s9, $0xF7A;
	s5 =	simm.s32 @!p2 $0x0  }
0x1d: {  	s5 =	simm.s32 @p1 $0x1;
	p0 =	seq.s32 s7, s2  }
0x1e: {  	s7 =	smul.u32 @!p0 $0xF7A, s2;
	p2 =	seq.s32 @!p0 s5, $0x0  }
0x1f: {  	s9 =	smul.u32 $0xF7A, s1;
	s8 =	simm.s32 @!p0 $0x1BF5;
	p2 =	por !p2, p0  }
0x20: {  	[sflag:s8] =	ssyncset.s32 @!p0 $0xFFFFF086;
	s6 =	sadd.s32 @!p0 s3, s7;
	s7 =	simm.s32 @!p0 $0x108  }
0x21: {  	s3 =	sadd.s32 s3, s9;
	s6 =	sadd.s32 @!p0 $0x88, s6;
	s7 =	simm.s32 @p2 $0x1082  }
0x22: {  	[simem:s7], [sflag:s8] =	dma.local @!p0 [hbm:s6], $0xF7A  }
0x23: {  	s9 =	sor.u32 $0xD0000000, s2;
	s6 =	simm.s32 $0x108;
	_ =	swait.ge @!p0 [sflag:s8], $0x0  }
0x24: {  	s3 =	sadd.s32 $0x88, s3;
	s6 =	simm.s32 @!p1 $0x1082;
	[sflag:s4] =	ssyncset.s32 $0xFFFFF086  }
0x25: {  	[simem:s6], [sflag:s4] =	dma.local [hbm:s3], $0xF7A  }
0x26: {  	[smem:$0x3F9F] =	sst s1;
	(tag) =	ssettag s2;
	_ =	strace s9  }
0x27: {  	s1 =	sld [smem:$0x3FAF]  }
0x28: {  	s2 =	sld [smem:$0x3FB0]  }
0x29: {  	s4 =	sld [smem:$0x3FB2]  }
0x2a: {  	p0 =	seq.s32 s5, $0x0;
	s5 =	sld [smem:$0x3FB3]  }
0x2b: {  	s6 =	sld [smem:$0x3FB4]  }
0x2c: {  	s7 =	sld [smem:$0x3FB5]  }
0x2d: {  	s3 =	simm.s32 $0x108;
	s8 =	sld [smem:$0x3FB6]  }
0x2e: {  	s3 =	simm.s32 @!p0 $0x1082;
	s9 =	sld [smem:$0x3FB7]  }
0x2f: {  	lr =	sadd.s32 s0, s3;
	s0 =	sld [smem:$0x3FAE]  }
0x30: {  	s3 =	sld [smem:$0x3FB1]  }
0x31: {  	[smem:$0x3FBA] =	sst s10  }
0x32: {  	s10 =	sld [smem:$0x3FB8];
	_ =	sdelay $0x3  }
0x33: {  	p0 =	seq.s32 s10, $0x1;
	s10 =	sld [smem:$0x3FBA];
	_ =	sdelay $0x3  }
0x34: {  	[smem:$0x3FBA] =	sst s10  }
0x35: {  	s10 =	sld [smem:$0x3FB9];
	_ =	sdelay $0x3  }
0x36: {  	p1 =	seq.s32 s10, $0x1;
	s10 =	sld [smem:$0x3FBA];
	_ =	sdelay $0x3  }
0x37: {  	[smem:$0x3FBA] =	sst s10  }
0x38: {  	s10 =	sld [smem:$0x3FBB]  }
0x39: {  	_ = 	snop;
	(pc) =	sbr.ind lr, $3  }
0x3a: {  	_ = 	snop  }
0x3b: {  	_ = 	snop  }
0x3c: {  	p2 =	seq.s32 s10, $0x1;
	s10 =	sld [smem:$0x3FBA]  }
0x3d: {  	_ =	shalt  }
0x3e: {  	_ =	shalt  }
0x3f: {  	_ =	shalt  }
0x40: {  	_ =	shalt  }
0x41: {  	_ =	shalt  }
0x42: {  	_ =	shalt  }
0x43: {  	_ =	shalt  }
0x44: {  	_ =	shalt  }
0x45: {  	_ =	shalt  }
0x46: {  	_ =	shalt  }
0x47: {  	_ =	shalt  }
0x48: {  	_ =	shalt  }
0x49: {  	_ =	shalt  }
0x4a: {  	_ =	shalt  }
0x4b: {  	_ =	shalt  }
0x4c: {  	_ =	shalt  }
0x4d: {  	_ =	shalt  }
0x4e: {  	_ =	shalt  }
0x4f: {  	_ =	shalt  }
0x50: {  	_ =	shalt  }
0x51: {  	_ =	shalt  }
0x52: {  	_ =	shalt  }
0x53: {  	_ =	shalt  }
0x54: {  	_ =	shalt  }
0x55: {  	_ =	shalt  }
0x56: {  	_ =	shalt  }
0x57: {  	_ =	shalt  }
0x58: {  	_ =	shalt  }
0x59: {  	_ =	shalt  }
0x5a: {  	_ =	shalt  }
0x5b: {  	_ =	shalt  }
0x5c: {  	_ =	shalt  }
0x5d: {  	_ =	shalt  }
0x5e: {  	_ =	shalt  }
0x5f: {  	_ =	shalt  }
0x60: {  	_ =	shalt  }
0x61: {  	_ =	shalt  }
0x62: {  	_ =	shalt  }
0x63: {  	_ =	shalt  }
0x64: {  	_ =	shalt  }
0x65: {  	_ =	shalt  }
0x66: {  	_ =	shalt  }
0x67: {  	_ =	shalt  }
0x68: {  	_ =	shalt  }
0x69: {  	_ =	shalt  }
0x6a: {  	_ =	shalt  }
0x6b: {  	_ =	shalt  }
0x6c: {  	_ =	shalt  }
0x6d: {  	_ =	shalt  }
0x6e: {  	_ =	shalt  }
0x6f: {  	_ =	shalt  }
0x70: {  	_ =	shalt  }
0x71: {  	_ =	shalt  }
0x72: {  	_ =	shalt  }
0x73: {  	_ =	shalt  }
0x74: {  	_ =	shalt  }
0x75: {  	_ =	shalt  }
0x76: {  	_ =	shalt  }
0x77: {  	_ =	shalt  }
0x78: {  	_ =	shalt  }
0x79: {  	_ =	shalt  }
0x7a: {  	_ =	shalt  }
0x7b: {  	_ =	shalt  }
0x7c: {  	_ =	shalt  }
0x7d: {  	_ =	shalt  }
0x7e: {  	_ =	shalt  }
0x7f: {  	_ =	shalt  }
0x80: {  	_ =	shalt  }
0x81: {  	_ =	shalt  }
0x82: {  	_ =	shalt  }
0x83: {  	_ =	shalt  }
0x84: {  	_ =	shalt  }
0x85: {  	_ =	shalt  }
0x86: {  	_ =	shalt  }
0x87: {  	_ =	shalt  }
.Lfunc_end0:
.L_simem_size_0:
called_computation_lowered:
.L_overlay_start_0:
0x88: {  	s2 =	sld [smem:$0x3FD9]  }
0x89: {  	s3 =	sld [smem:$0x3FFE];
	_ =	sdelay $0x1  }
0x8a: {  	s1 =	srdreg.scid  }
0x8b: {  	s0 =	sand.u32 $0x1, s1  }
0x8c: {  	s14 =	sshll.u32 s0, $0xA;
	s2 =	sadd.s32 s3, s2  }
0x8d: {  	s2 =	sadd.s32 s2, s14  }
0x8e: {  	[smem:$0x3FC6] =	sst s2  }
0x8f: {  	_ = 	snop  }
0x90: {  	s2 =	sld [smem:$0x3FD0];
	_ =	sdelay $0x2  }
0x91: {  	s15 =	simm.s32 $0xA;
	s4 =	simm.s32 $0x10  }
0x92: {  	[smem:s4], [sflag:s15] =	dma.local [hbm:s2], $0x1  }
0x93: {  	_ =	swait.eq [sflag:s15], $0x1  }
0x94: {  	[sflag:s15] =	ssyncset.done $0x0  }
0x95: {  	[sflag:s15] =	ssyncadd.s32 $0xFFFFFFFF  }
0x96: {  	s16 =	sld [smem:$0x12];
	(tm) =	ssettm $0x1  }
0x97: {  	s17 =	sld [smem:$0x3FFB];
	_ =	sdelay $0x3  }
0x98: {  	_ =	strace s17  }
0x99: {  	s3 =	sld [smem:$0x3FFC];
	_ =	sdelay $0x3  }
0x9a: {  	_ =	strace s3  }
0x9b: {  	s3 =	sld [smem:$0x3FFD];
	_ =	sdelay $0x3  }
0x9c: {  	_ =	strace s3  }
0x9d: {  	_ =	strace $0x8FFFFFFF  }
0x9e: {  	s18 =	sld [smem:$0x3FDB];
	_ =	sdelay $0x1  }
0x9f: {  	s19 =	simm.s32 $_scs_section_size  }
0xa0: {  	s5 =	simm.s32 $_size__tile_overlayer_lowered;
	s6 =	simm.s32 $_tile_overlayer_lowered  }
0xa1: {  	s22 =	simm.s32 $0x1BFF;
	s21 =	sshll.u32 s6, $0x1;
	s3 =	sadd.s32 s19, s18  }
0xa2: {  	s7 =	simm.s32 $0x0;
	s20 =	sshll.u32 s5, $0x1;
	s5 =	sadd.s32 s21, s3  }
0xa3: {  	[timem:s7], [sflag:s22] =	dma.local [hbm:s5], s20  }
0xa4: {  	_ =	swait.ge [sflag:s22], s20  }
0xa5: {  	s4 =	ssub.s32 $0x0, s20;
	[sflag:s22] =	ssyncset.done $0x0  }
0xa6: {  	[sflag:s22] =	ssyncadd.s32 s4;
	_ =	sdelay $0x1  }
0xa7: {  	s23 =	simm.s32 $0x1B8B  }
0xa8: {  	_ =	swait.ge [sflag:s23], $0x1  }
0xa9: {  	[sflag:s23] =	ssyncset.done $0x0  }
0xaa: {  	s25 =	simm.s32 $0x1B8E;
	s24 =	sld [smem:$0x3FFE];
	[sflag:s23] =	ssyncadd.s32 $0xFFFFFFFF  }
0xab: {  	s26 =	simm.s32 $execute0_lowered;
	[smem:$0x3FD2] =	sst s25  }
0xac: {  	s5 =	sshll.u32 s26, $0x1;
	_ =	strace $0x80000046;
	[dreg:$0x1] =	wrdreg $0xFFFFFFFF  }
0xad: {  	s28 =	simm.s32 $_size_execute0_lowered;
	s3 =	sadd.s32 s3, s5;
	[dreg:$0x0] =	wrdreg $0x0  }
0xae: {  	s5 =	sshll.u32 s28, $0x1;
	[dreg:$0x2] =	wrdreg s3  }
0xaf: {  	[dreg:$0x3] =	wrdreg s5  }
0xb0: {  	[dreg:$0x4] =	wrdreg $0xC0  }
0xb1: {  	_ =	task [dreg:s7], $0x5FFFF  }
0xb2: {  	[dreg:$0x1] =	wrdreg $0xFFFFFFFF  }
0xb3: {  	[dreg:$0x0] =	wrdreg $0x60  }
0xb4: {  	[dreg:$0x2] =	wrdreg s16  }
0xb5: {  	[dreg:$0x3] =	wrdreg s24  }
0xb6: {  	[dreg:$0x4] =	wrdreg $0x9  }
0xb7: {  	_ =	task.clear_ibuf [dreg:s7], $0x5FFFF;
	_ =	strace $0x90000046  }
0xb8: {  	s29 =	simm.s32 $0x9;
	_ =	strace $0x80000048  }
0xb9: {  	_ =	swait.ge [sflag:s29], $0x1  }
0xba: {  	[sflag:s29] =	ssyncadd.s32 $0xFFFFFFFF  }
0xbb: {  	_ =	strace $0x90000048  }
0xbc: {  	_ =	sfence  }
0xbd: {  	s30 =	sld [smem:$0x0];
	_ =	sdelay $0x2  }
0xbe: {  	s31 =	sshll.u32 s1, $0xD;
	s1 =	sshrl.u32 s1, $0x2  }
0xbf: {  	s3 =	sand.u32 $0x4000, s31;
	s1 =	sadd.s32 s1, s30  }
0xc0: {  	s0 =	sor.u32 s3, s0;
	s1 =	sshll.u32 s1, $0x11  }
0xc1: {  	s0 =	sor.u32 s1, s0  }
0xc2: {  	s0 =	sadd.s32 $0x8F2B, s0  }
0xc3: {  	[sflag:s0] =	ssyncadd.remote.s32 $0x1  }
0xc4: {  	_ =	sfence.sel $0xFFFF  }
0xc5: {  	[dreg:$0x0] =	wrdreg $0xFFFFFFFF;
	(pc) =	sbr.abs _section_cstart, $3  }
0xc6: {  	[dreg:$0x1] =	wrdreg $0xFFFFFFFF  }
0xc7: {  	_ =	task.clear_ibuf [dreg:s7], $0x2FFFF;
	_ =	strace $0x9FFFFFFF  }
0xc8: {  	(tm) =	ssettm $0x7FFFFFFF  }
0xc9: {  	_ =	shalt  }
tec
execute0_lowered:
.L_overlay_start_1:
0x0: {  	(tag) =	ssettag $0x1  }
0x1: {  	s1 =	srdreg.scid  }
0x2: {  	s2 =	rddreg [dreg:$0x0];
	s0 =	stileid.u32;
	s10 =	sand.u32 $0x1, s1  }
0x3: {  	s9 =	rddreg [dreg:$0x1];
	s4 =	sshll.u32 s0, $0xB;
	s5 =	sshll.u32 s10, $0xA  }
0x4: {  	s3 =	simm.s32 $0x0;
	s1 =	rddreg [dreg:$0x2];
	s11 =	sor.u32 s5, s4  }
0x5: {  	[smem:$0x7FF] =	sst s3;
	s4 =	sshrl.u32 s11, $0x3  }
0x6: {  	_ =	strace $0x80000047;
	s5 =	sadd.s32 s9, s4;
	s4 =	simm.s32 $0x2  }
0x7: {  	[tilespmem:s3], [sflag:$0x2] =	stream.linear.gather [hbm4b:s5+s3], $0x200, $0x38;
	[tilespmem:$0x10200] =	vst v63  }
0x8: {  	_ =	swait.ge [sflag:s4], $0x200  }
0x9: {  	[sflag:s4] =	ssyncset.done $0x0  }
0xa: {  	s6 =	simm.s32 $0x200;
	s7 =	simm.s32 $0x1;
	[sflag:s4] =	ssyncadd.s32 $0xFFFFFE00  }
0xb: {  	[tilespmem:s6], [sflag:$0x1] =	stream.indirect.gather [hbm4b:s2+s6], $0x80, s3, s6, $0xb8;
	[tilespmem:$0x10200] =	vst v63  }
0xc: {  	_ =	swait.ge [sflag:s7], $0x10000  }
0xd: {  	s12 =	sadd.s32 $0x1000, s9;
	s8 =	sshll.u32 s11, $0x4;
	[sflag:s7] =	ssyncset.done $0x0  }
0xe: {  	s8 =	sadd.s32 s12, s8;
	[sflag:s7] =	ssyncadd.s32 $0xFFFF0000  }
0xf: {  	[hbm4b:s8+s3] =	stream.linear.scatter [tilespmem:s6], [sflag:$0x2], $0x10000, $0x38;
	[tilespmem:$0x10200] =	vst v63  }
0x10: {  	s11 =	sor.u32 $0x200, s11;
	_ =	swait.ge [sflag:s4], $0x10000  }
0x11: {  	s13 =	sshrl.u32 s11, $0x3;
	[sflag:s4] =	ssyncset.done $0x0  }
0x12: {  	s10 =	ssub.s32 $0x2, s10;
	s9 =	sadd.s32 s9, s13;
	[sflag:s4] =	ssyncadd.s32 $0xFFFF0000  }
0x13: {  	[tilespmem:s3], [sflag:$0x2] =	stream.linear.gather [hbm4b:s9+s3], $0x200, $0x38;
	[tilespmem:$0x10200] =	vst v63  }
0x14: {  	s29 =	sshrl.u32 s10, $0x1;
	_ =	swait.ge [sflag:s4], $0x200  }
0x15: {  	s13 =	ssub.s32 s10, s29;
	[sflag:s4] =	ssyncset.done $0x0  }
0x16: {  	s31 =	smax.u32 s13, $0x1;
	[sflag:s4] =	ssyncadd.s32 $0xFFFFFE00  }
0x17: {  	[tilespmem:s6], [sflag:$0x1] =	stream.indirect.gather [hbm4b:s2+s6], $0x80, s3, s6, $0xb8;
	[tilespmem:$0x10200] =	vst v63  }
0x18: {  	p0 =	sne.s32 s31, $0x1;
	_ =	swait.ge [sflag:s7], $0x10000  }
.Ltmp0:
0x19: {  	s30 =	sshll.u32 s11, $0x4;
	[sflag:s7] =	ssyncset.done $0x0;
	(pc) =	sbr.rel @!p0 .LBB2_2-.Ltmp0, $4  }
0x1a: {  	s10 =	sadd.s32 s12, s30;
	[sflag:s7] =	ssyncadd.s32 $0xFFFF0000  }
0x1b: {  	[hbm4b:s10+s3] =	stream.linear.scatter [tilespmem:s6], [sflag:$0x2], $0x10000, $0x38;
	[tilespmem:$0x10200] =	vst v63  }
0x1c: {  	_ =	swait.ge [sflag:s4], $0x10000  }
0x1d: {  	s11 =	sadd.s32 $0xFFFFFFFF, s31;
	[sflag:s4] =	ssyncset.done $0x0  }
.LBB2_1:
0x1e: {  	p0 =	sne.s32 s11, $0x1;
	s11 =	sadd.s32 $0xFFFFFFFF, s11;
	[sflag:s4] =	ssyncadd.s32 $0xFFFF0000  }
0x1f: {  	[tilespmem:s3], [sflag:$0x2] =	stream.linear.gather [hbm4b:s5+s3], $0x200, $0x38;
	[tilespmem:$0x10200] =	vst v63  }
0x20: {  	_ =	swait.ge [sflag:s4], $0x200  }
0x21: {  	[sflag:s4] =	ssyncset.done $0x0  }
0x22: {  	[sflag:s4] =	ssyncadd.s32 $0xFFFFFE00  }
0x23: {  	[tilespmem:s6], [sflag:$0x1] =	stream.indirect.gather [hbm4b:s2+s6], $0x80, s3, s6, $0xb8;
	[tilespmem:$0x10200] =	vst v63  }
0x24: {  	_ =	swait.ge [sflag:s7], $0x10000  }
0x25: {  	[sflag:s7] =	ssyncset.done $0x0  }
0x26: {  	[sflag:s7] =	ssyncadd.s32 $0xFFFF0000  }
0x27: {  	[hbm4b:s8+s3] =	stream.linear.scatter [tilespmem:s6], [sflag:$0x2], $0x10000, $0x38;
	[tilespmem:$0x10200] =	vst v63  }
0x28: {  	_ =	swait.ge [sflag:s4], $0x10000  }
0x29: {  	[sflag:s4] =	ssyncset.done $0x0  }
0x2a: {  	[sflag:s4] =	ssyncadd.s32 $0xFFFF0000  }
0x2b: {  	[tilespmem:s3], [sflag:$0x2] =	stream.linear.gather [hbm4b:s9+s3], $0x200, $0x38;
	[tilespmem:$0x10200] =	vst v63  }
0x2c: {  	_ =	swait.ge [sflag:s4], $0x200  }
0x2d: {  	[sflag:s4] =	ssyncset.done $0x0  }
0x2e: {  	[sflag:s4] =	ssyncadd.s32 $0xFFFFFE00  }
0x2f: {  	[tilespmem:s6], [sflag:$0x1] =	stream.indirect.gather [hbm4b:s2+s6], $0x80, s3, s6, $0xb8;
	[tilespmem:$0x10200] =	vst v63  }
0x30: {  	_ =	swait.ge [sflag:s7], $0x10000  }
.Ltmp1:
0x31: {  	[sflag:s7] =	ssyncset.done $0x0;
	(pc) =	sbr.rel @p0 .LBB2_1-.Ltmp1, $4  }
0x32: {  	[sflag:s7] =	ssyncadd.s32 $0xFFFF0000  }
0x33: {  	[hbm4b:s10+s3] =	stream.linear.scatter [tilespmem:s6], [sflag:$0x2], $0x10000, $0x38;
	[tilespmem:$0x10200] =	vst v63  }
0x34: {  	_ =	swait.ge [sflag:s4], $0x10000  }
0x35: {  	[sflag:s4] =	ssyncset.done $0x0  }
.LBB2_2:
0x36: {  	[sflag:s4] =	ssyncadd.s32 $0xFFFF0000  }
0x37: {  	_ =	sfence.sel $0x180000  }
0x38: {  	[bflag:$0x0] =	sbarrier.arrive $0xFFFF  }
0x39: {  	p0 =	sne.s32 s0, $0x0;
	_ =	strace $0x90000047  }
0x3a: {  	s0 =	sadd.s32 @!p0 $0x100000, s1;
	[bflag:$0x2] =	sbarrier.arrive $0xFFFF  }
0x3b: {  	[sflag:s0] =	ssyncadd.tile.s32 @!p0 $0x1;
	_ =	shalt  }
.Lfunc_end2:
_tile_overlayer_lowered:
.L_overlay_start_2:
0x3c: {  	(tag) =	ssettag $0x2  }
0x3d: {  	s0 =	rddreg [dreg:$0x0];
	s2 =	stileid.u32  }
0x3e: {  	s1 =	rddreg [dreg:$0x1];
	p0 =	sne.s32 s2, $0x0  }
0x3f: {  	s3 =	rddreg [dreg:$0x2];
	[bflag:$0x3] =	sbarrier.arrive $0xFFFF;
	s2 =	simm.s32 @!p0 $0x1C02  }
0x40: {  	[timem:s3], [sflag:s2] =	dma.local @!p0 [hbm:s0], s1  }
0x41: {  	s0 =	simm.s32 @!p0 $0x2  }
0x42: {  	_ =	swait.ge @!p0 [sflag:s0], s1  }
0x43: {  	s1 =	ssub.s32 @!p0 $0x0, s1;
	[sflag:s0] =	ssyncset.done @!p0 $0x0  }
0x44: {  	[sflag:s0] =	ssyncadd.s32 @!p0 s1  }
0x45: {  	[bflag:$0x3] =	sbarrier.arrive $0xFFFF  }
0x46: {  	_ =	shalt  }

</sc_bundles>
